<compile_context>
chip_gen: v7x
topology: tpu7x:2x2x1
jax: 0.10.2.dev20260603
libtpu: 0.0.44.dev20260713+nightly
codegen_flags: <defaults>
</compile_context>

<pallas_src>
import functools

import jax
import jax.numpy as jnp
from jax import lax
from jax.experimental import pallas as pl
from jax.experimental.pallas import tpu as pltpu
from jax.experimental.pallas import tpu_sc as plsc

_B = 16
_L = 2048
_D = 128
_BB = 4


def _mlp_block(x_ref, s_ref, t_ref, cond_ref, wi_ref, ws_ref, wo_ref, tp_ref,
               o_ref):
    x2 = x_ref[...].reshape(_BB * _L, _D)
    s2 = s_ref[...].reshape(_BB * _L, _D)
    h = jnp.dot(x2, wi_ref[...], preferred_element_type=jnp.float32)
    h = h + jnp.dot(s2, ws_ref[...], preferred_element_type=jnp.float32)
    bias = jnp.sin(t_ref[:, 0, :] * tp_ref[0, :][None, :]) + cond_ref[:, 0, :]
    h = h.reshape(_BB, _L, _D) + bias[:, None, :]
    out = jnp.dot(jax.nn.gelu(h).reshape(_BB * _L, _D), wo_ref[...],
                  preferred_element_type=jnp.float32)
    o_ref[...] = out.reshape(_BB, _L, _D)


_NW = 32
_NWORDS = _B * _L * 4
_CHUNK = _NWORDS // _NW


def _sc_coords_copy(x_t_coords):
    mesh = plsc.VectorSubcoreMesh(core_axis_name="c", subcore_axis_name="s")

    @functools.partial(
        pl.kernel, mesh=mesh,
        out_type=jax.ShapeDtypeStruct((_NWORDS,), jnp.int32),
        scratch_types=[pltpu.VMEM((_CHUNK,), jnp.int32)],
    )
    def body(src_hbm, out_hbm, buf_v):
        wid = lax.axis_index("s") * 2 + lax.axis_index("c")
        base = wid * _CHUNK
        pltpu.sync_copy(src_hbm.at[pl.ds(base, _CHUNK)], buf_v)
        pltpu.sync_copy(buf_v, out_hbm.at[pl.ds(base, _CHUNK)])

    return body(x_t_coords.reshape(_NWORDS)).reshape(_B * _L, 4)


def kernel(x_t_feats, x_t_coords, tex_feats, tex_coords, shape_feats,
           shape_coords, t, cond, coords_len_list, W_in, W_shape, W_out,
           t_proj):
    grid = (_B // _BB,)
    blk_spec = pl.BlockSpec((_BB, _L, _D), lambda i: (i, 0, 0))
    full = lambda shape: pl.BlockSpec(shape, lambda i: (0,) * len(shape))
    out_f = pl.pallas_call(
        _mlp_block,
        grid=grid,
        in_specs=[
            blk_spec,
            blk_spec,
            pl.BlockSpec((_BB, 1, 1), lambda i: (i, 0, 0)),
            pl.BlockSpec((_BB, 1, _D), lambda i: (i, 0, 0)),
            full((_D, _D)),
            full((_D, _D)),
            full((_D, _D)),
            full((1, _D)),
        ],
        out_specs=blk_spec,
        out_shape=jax.ShapeDtypeStruct((_B, _L, _D), jnp.float32),
        compiler_params=pltpu.CompilerParams(
            dimension_semantics=("parallel",)),
    )(x_t_feats.reshape(_B, _L, _D), shape_feats.reshape(_B, _L, _D),
      t.reshape(_B, 1, 1), cond.reshape(_B, 1, _D),
      W_in, W_shape, W_out, t_proj.reshape(1, _D))
    return out_f.reshape(_B * _L, _D), _sc_coords_copy(x_t_coords)

# --- scband reference (transcript-rebuilt; emitter-appended) ---
"""Pipeline reference for scband-gen3-dseg-21449066676242 (READ-ONLY COPY).

The authoritative reference and input builder live on the scoring server;
editing this copy changes nothing except your own understanding.
"""

import jax, jax.numpy as jnp
import numpy as np

B = 16
L = 2048
T = B * L
D = 128


def setup_inputs(seed: int = 0) -> dict:
    key = jax.random.key(seed)
    ks = jax.random.split(key, 12)
    x_t_feats = jax.random.normal(ks[0], (T, D), dtype=jnp.float32)
    x_t_coords = jax.random.randint(ks[1], (T, 4), 0, 64, dtype=jnp.int32)
    tex_feats = jax.random.normal(ks[2], (T, D), dtype=jnp.float32)
    tex_coords = jax.random.randint(ks[3], (T, 4), 0, 64, dtype=jnp.int32)
    shape_feats = jax.random.normal(ks[4], (T, D), dtype=jnp.float32)
    shape_coords = jax.random.randint(ks[5], (T, 4), 0, 64, dtype=jnp.int32)
    t = jax.random.uniform(ks[6], (B,), dtype=jnp.float32)
    cond = jax.random.normal(ks[7], (B, D), dtype=jnp.float32)
    coords_len_list = np.full((B,), L, dtype=np.int64)
    # surrogate flow_model parameters (linear conditioning MLP)
    W_in = jax.random.normal(ks[8], (D, D), dtype=jnp.float32) * 0.05
    W_shape = jax.random.normal(ks[9], (D, D), dtype=jnp.float32) * 0.05
    W_out = jax.random.normal(ks[10], (D, D), dtype=jnp.float32) * 0.05
    t_proj = jax.random.normal(ks[11], (D,), dtype=jnp.float32)
    return {
        'x_t_feats': x_t_feats, 'x_t_coords': x_t_coords,
        'tex_feats': tex_feats, 'tex_coords': tex_coords,
        'shape_feats': shape_feats, 'shape_coords': shape_coords,
        't': t, 'cond': cond, 'coords_len_list': coords_len_list,
        'W_in': W_in, 'W_shape': W_shape, 'W_out': W_out, 't_proj': t_proj,
    }


def _flow_model(in_feats, shp_feats, token_batch, t, cond, W_in, W_shape, W_out, t_proj):
    # surrogate for self.flow_model(x_t, t, cond, shape_slats)
    t_emb = jnp.sin(t[:, None] * t_proj[None, :])  # [B, D]
    h = in_feats @ W_in + shp_feats @ W_shape + t_emb[token_batch] + cond[token_batch]
    return jax.nn.gelu(h) @ W_out


def reference(x_t_feats, x_t_coords, tex_feats, tex_coords, shape_feats, shape_coords,
              t, cond, coords_len_list, W_in, W_shape, W_out, t_proj):
    b = coords_len_list.shape[0]
    l = x_t_feats.shape[0] // b
    d = x_t_feats.shape[1]
    c = x_t_coords.shape[1]
    xf = x_t_feats.reshape(b, l, d)
    tf = tex_feats.reshape(b, l, d)
    in_feats = jnp.stack([xf, tf], axis=1).reshape(2 * b * l, d)
    xc = x_t_coords.reshape(b, l, c)
    tc = tex_coords.reshape(b, l, c)
    in_coords = jnp.stack([xc, tc], axis=1).reshape(2 * b * l, c)
    sf = shape_feats.reshape(b, l, d)
    shp_feats = jnp.stack([sf, sf], axis=1).reshape(2 * b * l, d)
    token_batch = jnp.repeat(jnp.arange(b), 2 * coords_len_list,
                             total_repeat_length=2 * b * l)
    out_full = _flow_model(in_feats, shp_feats, token_batch, t, cond, W_in, W_shape, W_out, t_proj)
    out_f = out_full.reshape(b, 2, l, d)[:, 0].reshape(b * l, d)
    out_c = in_coords.reshape(b, 2, l, c)[:, 0].reshape(b * l, c)
    return out_f, out_c

if __name__ == "__main__":
    import jax
    _d = setup_inputs()
    print(jax.jit(kernel)(*tuple(_d.values())))

</pallas_src>

<mosaic_0001>
#map = affine_map<(d0, d1) -> (0)>
module attributes {stable_mosaic.version = 14 : i64} {
  func.func @body(%arg0: i32, %arg1: i32, %arg2: memref<131072xi32, #tpu.memory_space<hbm>>, %arg3: memref<131072xi32, #tpu.memory_space<hbm>>, %arg4: memref<4096xi32, #tpu.memory_space<vmem>>) attributes {dimension_semantics = [#tpu.dimension_semantics<core_parallel>, #tpu.dimension_semantics<subcore_parallel>], iteration_bounds = array<i64: 2, 16>, scalar_prefetch = 0 : i64, scratch_operands = 1 : i64, tpu.core_type = #tpu.core_type<sc_vector_subcore>, window_params = [{transform_indices = #map}, {transform_indices = #map}]} {
    %mul3A = arith.constant 2 : i32
    %mul3A_0 = arith.muli %arg1, %mul3A : i32
    %add3A = arith.addi %mul3A_0, %arg0 : i32
    %mul3A_1 = arith.constant 4096 : i32
    %mul3A_2 = arith.muli %add3A, %mul3A_1 : i32
    "tpu.region"() ({
      %run_scoped3A = tpu.sem_alloc : memref<!tpu.dma_semaphore, #tpu.memory_space<semaphore_mem>>
      %dma_start3A = tpu.memref_slice %arg2[%mul3A_2] : memref<131072xi32, #tpu.memory_space<hbm>> -> memref<4096xi32, #tpu.memory_space<hbm>>
      %dma_start3A_3 = tpu.memref_slice %arg2[%mul3A_2] : memref<131072xi32, #tpu.memory_space<hbm>> -> memref<4096xi32, #tpu.memory_space<hbm>>
      tpu.enqueue_dma source(%dma_start3A_3 : memref<4096xi32, #tpu.memory_space<hbm>>) target(%arg4 : memref<4096xi32, #tpu.memory_space<vmem>>) target_semaphore(%run_scoped3A : memref<!tpu.dma_semaphore, #tpu.memory_space<semaphore_mem>>)
      %dma_wait3A = tpu.memref_slice %arg2[%mul3A_2] : memref<131072xi32, #tpu.memory_space<hbm>> -> memref<4096xi32, #tpu.memory_space<hbm>>
      %dma_wait3A_4 = tpu.memref_slice %arg2[%mul3A_2] : memref<131072xi32, #tpu.memory_space<hbm>> -> memref<4096xi32, #tpu.memory_space<hbm>>
      tpu.wait_dma2 semaphore(%run_scoped3A : memref<!tpu.dma_semaphore, #tpu.memory_space<semaphore_mem>>) src(%dma_wait3A_4 : memref<4096xi32, #tpu.memory_space<hbm>>) dst(%arg4 : memref<4096xi32, #tpu.memory_space<vmem>>)
      tpu.yield
    }) : () -> ()
    "tpu.region"() ({
      %run_scoped3A = tpu.sem_alloc : memref<!tpu.dma_semaphore, #tpu.memory_space<semaphore_mem>>
      %dma_start3A = tpu.memref_slice %arg3[%mul3A_2] : memref<131072xi32, #tpu.memory_space<hbm>> -> memref<4096xi32, #tpu.memory_space<hbm>>
      %dma_start3A_3 = tpu.memref_slice %arg3[%mul3A_2] : memref<131072xi32, #tpu.memory_space<hbm>> -> memref<4096xi32, #tpu.memory_space<hbm>>
      tpu.enqueue_dma source(%arg4 : memref<4096xi32, #tpu.memory_space<vmem>>) target(%dma_start3A_3 : memref<4096xi32, #tpu.memory_space<hbm>>) target_semaphore(%run_scoped3A : memref<!tpu.dma_semaphore, #tpu.memory_space<semaphore_mem>>)
      %dma_wait3A = tpu.memref_slice %arg3[%mul3A_2] : memref<131072xi32, #tpu.memory_space<hbm>> -> memref<4096xi32, #tpu.memory_space<hbm>>
      %dma_wait3A_4 = tpu.memref_slice %arg3[%mul3A_2] : memref<131072xi32, #tpu.memory_space<hbm>> -> memref<4096xi32, #tpu.memory_space<hbm>>
      tpu.wait_dma2 semaphore(%run_scoped3A : memref<!tpu.dma_semaphore, #tpu.memory_space<semaphore_mem>>) src(%arg4 : memref<4096xi32, #tpu.memory_space<vmem>>) dst(%dma_wait3A_4 : memref<4096xi32, #tpu.memory_space<hbm>>)
      tpu.yield
    }) : () -> ()
    return
  }
}

module attributes {stable_mosaic.version = 14 : i64} {
  func.func @_mlp_block(%arg0: i32, %arg1: memref<4x2048x128xf32, #tpu.memory_space<vmem>>, %arg2: memref<4x2048x128xf32, #tpu.memory_space<vmem>>, %arg3: memref<4x1x1xf32, #tpu.memory_space<vmem>>, %arg4: memref<4x1x128xf32, #tpu.memory_space<vmem>>, %arg5: memref<128x128xf32, #tpu.memory_space<vmem>>, %arg6: memref<128x128xf32, #tpu.memory_space<vmem>>, %arg7: memref<128x128xf32, #tpu.memory_space<vmem>>, %arg8: memref<1x128xf32, #tpu.memory_space<vmem>>, %arg9: memref<4x2048x128xf32, #tpu.memory_space<vmem>>) attributes {dimension_semantics = [#tpu.dimension_semantics<parallel>], iteration_bounds = array<i64: 4>, scalar_prefetch = 0 : i64, scratch_operands = 0 : i64, tpu.core_type = #tpu.core_type<tc>, window_params = [{transform_indices = @transform_0, window_bounds = array<i64: 4, 2048, 128>}, {transform_indices = @transform_1, window_bounds = array<i64: 4, 2048, 128>}, {transform_indices = @transform_2, window_bounds = array<i64: 4, 1, 1>}, {transform_indices = @transform_3, window_bounds = array<i64: 4, 1, 128>}, {pipeline_mode = #tpu.pipeline_mode<synchronous>, transform_indices = @transform_4, window_bounds = array<i64: 128, 128>}, {pipeline_mode = #tpu.pipeline_mode<synchronous>, transform_indices = @transform_5, window_bounds = array<i64: 128, 128>}, {pipeline_mode = #tpu.pipeline_mode<synchronous>, transform_indices = @transform_6, window_bounds = array<i64: 128, 128>}, {pipeline_mode = #tpu.pipeline_mode<synchronous>, transform_indices = @transform_7, window_bounds = array<i64: 1, 128>}, {transform_indices = @transform_8, window_bounds = array<i64: 4, 2048, 128>}]} {
    %get3A = arith.constant 0 : index
    %get3A_0 = arith.constant 0 : index
    %get3A_1 = arith.constant 0 : index
    %get3A_2 = vector.load %arg1[%get3A, %get3A_0, %get3A_1] : memref<4x2048x128xf32, #tpu.memory_space<vmem>>, vector<4x2048x128xf32>
    %reshape3A = vector.shape_cast %get3A_2 : vector<4x2048x128xf32> to vector<8192x128xf32>
    %get3A_3 = arith.constant 0 : index
    %get3A_4 = arith.constant 0 : index
    %get3A_5 = arith.constant 0 : index
    %get3A_6 = vector.load %arg2[%get3A_3, %get3A_4, %get3A_5] : memref<4x2048x128xf32, #tpu.memory_space<vmem>>, vector<4x2048x128xf32>
    %reshape3A_7 = vector.shape_cast %get3A_6 : vector<4x2048x128xf32> to vector<8192x128xf32>
    %get3A_8 = arith.constant 0 : index
    %get3A_9 = arith.constant 0 : index
    %get3A_10 = vector.load %arg5[%get3A_8, %get3A_9] : memref<128x128xf32, #tpu.memory_space<vmem>>, vector<128x128xf32>
    %dot_general3A = arith.constant dense<0.000000e+00> : vector<8192x128xf32>
    %dot_general3A_11 = tpu.matmul %reshape3A, %get3A_10, %dot_general3A {dimension_numbers = #tpu.dot_dimension_numbers<[1], [0], [0], [1], [0, 0, 1, 1], [], []>, transpose_lhs_hint = false} : vector<8192x128xf32>, vector<128x128xf32>, vector<8192x128xf32> -> vector<8192x128xf32>
    %get3A_12 = arith.constant 0 : index
    %get3A_13 = arith.constant 0 : index
    %get3A_14 = vector.load %arg6[%get3A_12, %get3A_13] : memref<128x128xf32, #tpu.memory_space<vmem>>, vector<128x128xf32>
    %dot_general3A_15 = arith.constant dense<0.000000e+00> : vector<8192x128xf32>
    %dot_general3A_16 = tpu.matmul %reshape3A_7, %get3A_14, %dot_general3A_15 {dimension_numbers = #tpu.dot_dimension_numbers<[1], [0], [0], [1], [0, 0, 1, 1], [], []>, transpose_lhs_hint = false} : vector<8192x128xf32>, vector<128x128xf32>, vector<8192x128xf32> -> vector<8192x128xf32>
    %add3A = arith.addf %dot_general3A_11, %dot_general3A_16 : vector<8192x128xf32>
    %get3A_17 = arith.constant 0 : index
    %get3A_18 = arith.constant 0 : index
    %get3A_19 = arith.constant 0 : index
    %get3A_20 = vector.load %arg3[%get3A_17, %get3A_18, %get3A_19] : memref<4x1x1xf32, #tpu.memory_space<vmem>>, vector<4x1x1xf32>
    %get3A_21 = vector.shape_cast %get3A_20 : vector<4x1x1xf32> to vector<4x1xf32>
    %get3A_22 = arith.constant 0 : index
    %get3A_23 = arith.constant 0 : index
    %get3A_24 = vector.load %arg8[%get3A_22, %get3A_23] : memref<1x128xf32, #tpu.memory_space<vmem>>, vector<1x128xf32>
    %get3A_25 = vector.shape_cast %get3A_24 : vector<1x128xf32> to vector<128xf32>
    %broadcast_in_dim3A = vector.shape_cast %get3A_25 : vector<128xf32> to vector<1x128xf32>
    %mul3A = vector.broadcast %get3A_21 : vector<4x1xf32> to vector<4x128xf32>
    %mul3A_26 = vector.broadcast %broadcast_in_dim3A : vector<1x128xf32> to vector<4x128xf32>
    %mul3A_27 = arith.mulf %mul3A, %mul3A_26 : vector<4x128xf32>
    %sin3A = math.sin %mul3A_27 : vector<4x128xf32>
    %get3A_28 = arith.constant 0 : index
    %get3A_29 = arith.constant 0 : index
    %get3A_30 = arith.constant 0 : index
    %get3A_31 = vector.load %arg4[%get3A_28, %get3A_29, %get3A_30] : memref<4x1x128xf32, #tpu.memory_space<vmem>>, vector<4x1x128xf32>
    %get3A_32 = vector.shape_cast %get3A_31 : vector<4x1x128xf32> to vector<4x128xf32>
    %add3A_33 = arith.addf %sin3A, %get3A_32 : vector<4x128xf32>
    %reshape3A_34 = vector.shape_cast %add3A : vector<8192x128xf32> to vector<4x2048x128xf32>
    %broadcast_in_dim3A_35 = vector.shape_cast %add3A_33 : vector<4x128xf32> to vector<4x1x128xf32>
    %add3A_36 = vector.broadcast %broadcast_in_dim3A_35 : vector<4x1x128xf32> to vector<4x2048x128xf32>
    %add3A_37 = arith.addf %reshape3A_34, %add3A_36 : vector<4x2048x128xf32>
    %integer_pow3A = arith.mulf %add3A_37, %add3A_37 : vector<4x2048x128xf32>
    %integer_pow3A_38 = arith.mulf %add3A_37, %integer_pow3A : vector<4x2048x128xf32>
    %mul3A_39 = arith.constant 4.471500e-02 : f32
    %mul3A_40 = vector.broadcast %mul3A_39 : f32 to vector<4x2048x128xf32>
    %mul3A_41 = arith.mulf %mul3A_40, %integer_pow3A_38 : vector<4x2048x128xf32>
    %add3A_42 = arith.addf %add3A_37, %mul3A_41 : vector<4x2048x128xf32>
    %mul3A_43 = arith.constant 0.797884583 : f32
    %mul3A_44 = vector.broadcast %mul3A_43 : f32 to vector<4x2048x128xf32>
    %mul3A_45 = arith.mulf %mul3A_44, %add3A_42 : vector<4x2048x128xf32>
    %tanh3A = math.tanh %mul3A_45 : vector<4x2048x128xf32>
    %add3A_46 = arith.constant 1.000000e+00 : f32
    %add3A_47 = vector.broadcast %add3A_46 : f32 to vector<4x2048x128xf32>
    %add3A_48 = arith.addf %add3A_47, %tanh3A : vector<4x2048x128xf32>
    %mul3A_49 = arith.constant 5.000000e-01 : f32
    %mul3A_50 = vector.broadcast %mul3A_49 : f32 to vector<4x2048x128xf32>
    %mul3A_51 = arith.mulf %mul3A_50, %add3A_48 : vector<4x2048x128xf32>
    %mul3A_52 = arith.mulf %add3A_37, %mul3A_51 : vector<4x2048x128xf32>
    %reshape3A_53 = vector.shape_cast %mul3A_52 : vector<4x2048x128xf32> to vector<8192x128xf32>
    %get3A_54 = arith.constant 0 : index
    %get3A_55 = arith.constant 0 : index
    %get3A_56 = vector.load %arg7[%get3A_54, %get3A_55] : memref<128x128xf32, #tpu.memory_space<vmem>>, vector<128x128xf32>
    %dot_general3A_57 = arith.constant dense<0.000000e+00> : vector<8192x128xf32>
    %dot_general3A_58 = tpu.matmul %reshape3A_53, %get3A_56, %dot_general3A_57 {dimension_numbers = #tpu.dot_dimension_numbers<[1], [0], [0], [1], [0, 0, 1, 1], [], []>, transpose_lhs_hint = false} : vector<8192x128xf32>, vector<128x128xf32>, vector<8192x128xf32> -> vector<8192x128xf32>
    %reshape3A_59 = vector.shape_cast %dot_general3A_58 : vector<8192x128xf32> to vector<4x2048x128xf32>
    %swap3A = arith.constant 0 : index
    %swap3A_60 = arith.constant 0 : index
    %swap3A_61 = arith.constant 0 : index
    %swap3A_62 = vector.load %arg9[%swap3A, %swap3A_60, %swap3A_61] : memref<4x2048x128xf32, #tpu.memory_space<vmem>>, vector<4x2048x128xf32>
    tpu.vector_store %arg9[%swap3A, %swap3A_60, %swap3A_61], %reshape3A_59 {strides = array<i32>} : memref<4x2048x128xf32, #tpu.memory_space<vmem>>, vector<4x2048x128xf32>,
    return
  }
  func.func @transform_0(%arg0: i32) -> (i32, i32, i32) {
    %c0_i32 = arith.constant 0 : i32
    %c0_i32_0 = arith.constant 0 : i32
    %c0_i32_1 = arith.constant 0 : i32
    return %arg0, %c0_i32, %c0_i32_0 : i32, i32, i32
  }
  func.func @transform_1(%arg0: i32) -> (i32, i32, i32) {
    %c0_i32 = arith.constant 0 : i32
    %c0_i32_0 = arith.constant 0 : i32
    %c0_i32_1 = arith.constant 0 : i32
    return %arg0, %c0_i32, %c0_i32_0 : i32, i32, i32
  }
  func.func @transform_2(%arg0: i32) -> (i32, i32, i32) {
    %c0_i32 = arith.constant 0 : i32
    %c0_i32_0 = arith.constant 0 : i32
    %c0_i32_1 = arith.constant 0 : i32
    return %arg0, %c0_i32, %c0_i32_0 : i32, i32, i32
  }
  func.func @transform_3(%arg0: i32) -> (i32, i32, i32) {
    %c0_i32 = arith.constant 0 : i32
    %c0_i32_0 = arith.constant 0 : i32
    %c0_i32_1 = arith.constant 0 : i32
    return %arg0, %c0_i32, %c0_i32_0 : i32, i32, i32
  }
  func.func @transform_4(%arg0: i32) -> (i32, i32) {
    %c0_i32 = arith.constant 0 : i32
    %c0_i32_0 = arith.constant 0 : i32
    %c0_i32_1 = arith.constant 0 : i32
    return %c0_i32, %c0_i32_0 : i32, i32
  }
  func.func @transform_5(%arg0: i32) -> (i32, i32) {
    %c0_i32 = arith.constant 0 : i32
    %c0_i32_0 = arith.constant 0 : i32
    %c0_i32_1 = arith.constant 0 : i32
    return %c0_i32, %c0_i32_0 : i32, i32
  }
  func.func @transform_6(%arg0: i32) -> (i32, i32) {
    %c0_i32 = arith.constant 0 : i32
    %c0_i32_0 = arith.constant 0 : i32
    %c0_i32_1 = arith.constant 0 : i32
    return %c0_i32, %c0_i32_0 : i32, i32
  }
  func.func @transform_7(%arg0: i32) -> (i32, i32) {
    %c0_i32 = arith.constant 0 : i32
    %c0_i32_0 = arith.constant 0 : i32
    %c0_i32_1 = arith.constant 0 : i32
    return %c0_i32, %c0_i32_0 : i32, i32
  }
  func.func @transform_8(%arg0: i32) -> (i32, i32, i32) {
    %c0_i32 = arith.constant 0 : i32
    %c0_i32_0 = arith.constant 0 : i32
    %c0_i32_1 = arith.constant 0 : i32
    return %arg0, %c0_i32, %c0_i32_0 : i32, i32, i32
  }
}

</mosaic_0001>

<sc_bundles>
// kernel: kernel.4.cloned.1.call-start
scs
__scs_entry_jumppad:
0x0: {  	(pc) =	sbr.rel $0x88, $3  }
0x1: {  	(tag) =	ssettag $0x0;
	lr =	simm.s32 $0x1  }
0x2: {  	[smem:$0x3F98] =	sst lr;
	_ =	strace $0xD0000000  }
0x3: {  	_ = 	snop  }
0x4: {  	_ = 	snop  }
0x5: {  	_ = 	snop  }
0x6: {  	_ = 	snop  }
0x7: {  	_ = 	snop  }
__scs_overlays_trampoline_lowered:
0x8: {  	[smem:$0x3FA7] =	sst s0  }
0x9: {  	[smem:$0x3FA8] =	sst s1  }
0xa: {  	[smem:$0x3FA9] =	sst s2  }
0xb: {  	[smem:$0x3FAA] =	sst s3  }
0xc: {  	[smem:$0x3FAB] =	sst s4  }
0xd: {  	[smem:$0x3FAC] =	sst s5  }
0xe: {  	[smem:$0x3FAD] =	sst s6  }
0xf: {  	[smem:$0x3FAE] =	sst s7  }
0x10: {  	[smem:$0x3FAF] =	sst s8  }
0x11: {  	[smem:$0x3FB0] =	sst s9;
	s0 =	simm.s32 @!p0 $0x0  }
0x12: {  	s1 =	sld [smem:$0x3F96];
	s0 =	simm.s32 @p0 $0x1  }
0x13: {  	[smem:$0x3FB1] =	sst s0;
	s0 =	simm.s32 @!p1 $0x0  }
0x14: {  	s2 =	sld [smem:$0x3F95];
	s0 =	simm.s32 @p1 $0x1  }
0x15: {  	[smem:$0x3FB2] =	sst s0;
	s0 =	simm.s32 @!p2 $0x0  }
0x16: {  	s3 =	sld [smem:$0x3FDB];
	s0 =	simm.s32 @p2 $0x1  }
0x17: {  	s4 =	simm.s32 $0x1BF5;
	[smem:$0x3FB4] =	sst s0  }
0x18: {  	s0 =	sld [smem:$0x3F97];
	_ =	swait.ge [sflag:s4], $0x0  }
0x19: {  	s7 =	sld [smem:$0x3F98]  }
0x1a: {  	s8 =	sadd.s32 $0xFFFFE003, lr  }
0x1b: {  	s9 =	sadd.s32 $0xFFFFFEF7, lr;
	s5 =	simm.s32 $0xFFFFFFFF;
	p2 =	slt.u32 s8, $0xFFFFF086  }
0x1c: {  	p1 =	slt.u32 s9, $0xF7A;
	s5 =	simm.s32 @!p2 $0x0  }
0x1d: {  	s5 =	simm.s32 @p1 $0x1;
	p0 =	seq.s32 s7, s2  }
0x1e: {  	s7 =	smul.u32 @!p0 $0xF7A, s2;
	p2 =	seq.s32 @!p0 s5, $0x0  }
0x1f: {  	s9 =	smul.u32 $0xF7A, s1;
	s8 =	simm.s32 @!p0 $0x1BF5;
	p2 =	por !p2, p0  }
0x20: {  	[sflag:s8] =	ssyncset.s32 @!p0 $0xFFFFF086;
	s6 =	sadd.s32 @!p0 s3, s7;
	s7 =	simm.s32 @!p0 $0x108  }
0x21: {  	s3 =	sadd.s32 s3, s9;
	s6 =	sadd.s32 @!p0 $0x88, s6;
	s7 =	simm.s32 @p2 $0x1082  }
0x22: {  	[simem:s7], [sflag:s8] =	dma.local @!p0 [hbm:s6], $0xF7A  }
0x23: {  	s9 =	sor.u32 $0xD0000000, s2;
	s6 =	simm.s32 $0x108;
	_ =	swait.ge @!p0 [sflag:s8], $0x0  }
0x24: {  	s3 =	sadd.s32 $0x88, s3;
	s6 =	simm.s32 @!p1 $0x1082;
	[sflag:s4] =	ssyncset.s32 $0xFFFFF086  }
0x25: {  	[simem:s6], [sflag:s4] =	dma.local [hbm:s3], $0xF7A  }
0x26: {  	[smem:$0x3F98] =	sst s1;
	(tag) =	ssettag s2;
	_ =	strace s9  }
0x27: {  	s1 =	sld [smem:$0x3FA8]  }
0x28: {  	s2 =	sld [smem:$0x3FA9]  }
0x29: {  	s4 =	sld [smem:$0x3FAB]  }
0x2a: {  	p0 =	seq.s32 s5, $0x0;
	s5 =	sld [smem:$0x3FAC]  }
0x2b: {  	s6 =	sld [smem:$0x3FAD]  }
0x2c: {  	s7 =	sld [smem:$0x3FAE]  }
0x2d: {  	s3 =	simm.s32 $0x108;
	s8 =	sld [smem:$0x3FAF]  }
0x2e: {  	s3 =	simm.s32 @!p0 $0x1082;
	s9 =	sld [smem:$0x3FB0]  }
0x2f: {  	lr =	sadd.s32 s0, s3;
	s0 =	sld [smem:$0x3FA7]  }
0x30: {  	s3 =	sld [smem:$0x3FAA]  }
0x31: {  	[smem:$0x3FB3] =	sst s10  }
0x32: {  	s10 =	sld [smem:$0x3FB1];
	_ =	sdelay $0x3  }
0x33: {  	p0 =	seq.s32 s10, $0x1;
	s10 =	sld [smem:$0x3FB3];
	_ =	sdelay $0x3  }
0x34: {  	[smem:$0x3FB3] =	sst s10  }
0x35: {  	s10 =	sld [smem:$0x3FB2];
	_ =	sdelay $0x3  }
0x36: {  	p1 =	seq.s32 s10, $0x1;
	s10 =	sld [smem:$0x3FB3];
	_ =	sdelay $0x3  }
0x37: {  	[smem:$0x3FB3] =	sst s10  }
0x38: {  	s10 =	sld [smem:$0x3FB4]  }
0x39: {  	_ = 	snop;
	(pc) =	sbr.ind lr, $3  }
0x3a: {  	_ = 	snop  }
0x3b: {  	_ = 	snop  }
0x3c: {  	p2 =	seq.s32 s10, $0x1;
	s10 =	sld [smem:$0x3FB3]  }
0x3d: {  	_ =	shalt  }
0x3e: {  	_ =	shalt  }
0x3f: {  	_ =	shalt  }
0x40: {  	_ =	shalt  }
0x41: {  	_ =	shalt  }
0x42: {  	_ =	shalt  }
0x43: {  	_ =	shalt  }
0x44: {  	_ =	shalt  }
0x45: {  	_ =	shalt  }
0x46: {  	_ =	shalt  }
0x47: {  	_ =	shalt  }
0x48: {  	_ =	shalt  }
0x49: {  	_ =	shalt  }
0x4a: {  	_ =	shalt  }
0x4b: {  	_ =	shalt  }
0x4c: {  	_ =	shalt  }
0x4d: {  	_ =	shalt  }
0x4e: {  	_ =	shalt  }
0x4f: {  	_ =	shalt  }
0x50: {  	_ =	shalt  }
0x51: {  	_ =	shalt  }
0x52: {  	_ =	shalt  }
0x53: {  	_ =	shalt  }
0x54: {  	_ =	shalt  }
0x55: {  	_ =	shalt  }
0x56: {  	_ =	shalt  }
0x57: {  	_ =	shalt  }
0x58: {  	_ =	shalt  }
0x59: {  	_ =	shalt  }
0x5a: {  	_ =	shalt  }
0x5b: {  	_ =	shalt  }
0x5c: {  	_ =	shalt  }
0x5d: {  	_ =	shalt  }
0x5e: {  	_ =	shalt  }
0x5f: {  	_ =	shalt  }
0x60: {  	_ =	shalt  }
0x61: {  	_ =	shalt  }
0x62: {  	_ =	shalt  }
0x63: {  	_ =	shalt  }
0x64: {  	_ =	shalt  }
0x65: {  	_ =	shalt  }
0x66: {  	_ =	shalt  }
0x67: {  	_ =	shalt  }
0x68: {  	_ =	shalt  }
0x69: {  	_ =	shalt  }
0x6a: {  	_ =	shalt  }
0x6b: {  	_ =	shalt  }
0x6c: {  	_ =	shalt  }
0x6d: {  	_ =	shalt  }
0x6e: {  	_ =	shalt  }
0x6f: {  	_ =	shalt  }
0x70: {  	_ =	shalt  }
0x71: {  	_ =	shalt  }
0x72: {  	_ =	shalt  }
0x73: {  	_ =	shalt  }
0x74: {  	_ =	shalt  }
0x75: {  	_ =	shalt  }
0x76: {  	_ =	shalt  }
0x77: {  	_ =	shalt  }
0x78: {  	_ =	shalt  }
0x79: {  	_ =	shalt  }
0x7a: {  	_ =	shalt  }
0x7b: {  	_ =	shalt  }
0x7c: {  	_ =	shalt  }
0x7d: {  	_ =	shalt  }
0x7e: {  	_ =	shalt  }
0x7f: {  	_ =	shalt  }
0x80: {  	_ =	shalt  }
0x81: {  	_ =	shalt  }
0x82: {  	_ =	shalt  }
0x83: {  	_ =	shalt  }
0x84: {  	_ =	shalt  }
0x85: {  	_ =	shalt  }
0x86: {  	_ =	shalt  }
0x87: {  	_ =	shalt  }
.Lfunc_end0:
.L_simem_size_0:
called_computation_lowered:
.L_overlay_start_0:
0x88: {  	s2 =	sld [smem:$0x3FD9]  }
0x89: {  	s3 =	sld [smem:$0x3FFE];
	_ =	sdelay $0x1  }
0x8a: {  	s1 =	srdreg.scid  }
0x8b: {  	s0 =	sand.u32 $0x1, s1  }
0x8c: {  	s14 =	sshll.u32 s0, $0xA;
	s2 =	sadd.s32 s3, s2  }
0x8d: {  	s2 =	sadd.s32 s2, s14  }
0x8e: {  	[smem:$0x3FBF] =	sst s2  }
0x8f: {  	_ = 	snop  }
0x90: {  	s2 =	sld [smem:$0x3FD0];
	_ =	sdelay $0x2  }
0x91: {  	s15 =	simm.s32 $0xA;
	s4 =	simm.s32 $0x10  }
0x92: {  	[smem:s4], [sflag:s15] =	dma.local [hbm:s2], $0x1  }
0x93: {  	_ =	swait.eq [sflag:s15], $0x1  }
0x94: {  	[sflag:s15] =	ssyncset.done $0x0  }
0x95: {  	[sflag:s15] =	ssyncadd.s32 $0xFFFFFFFF  }
0x96: {  	s16 =	sld [smem:$0x11];
	(tm) =	ssettm $0x1  }
0x97: {  	s17 =	sld [smem:$0x3FFB];
	_ =	sdelay $0x3  }
0x98: {  	_ =	strace s17  }
0x99: {  	s3 =	sld [smem:$0x3FFC];
	_ =	sdelay $0x3  }
0x9a: {  	_ =	strace s3  }
0x9b: {  	s3 =	sld [smem:$0x3FFD];
	_ =	sdelay $0x3  }
0x9c: {  	_ =	strace s3  }
0x9d: {  	_ =	strace $0x8FFFFFFF  }
0x9e: {  	s18 =	sld [smem:$0x3FDB];
	_ =	sdelay $0x1  }
0x9f: {  	s19 =	simm.s32 $_scs_section_size  }
0xa0: {  	s5 =	simm.s32 $_size__tile_overlayer_lowered;
	s6 =	simm.s32 $_tile_overlayer_lowered  }
0xa1: {  	s22 =	simm.s32 $0x1BFF;
	s21 =	sshll.u32 s6, $0x1;
	s3 =	sadd.s32 s19, s18  }
0xa2: {  	s7 =	simm.s32 $0x0;
	s20 =	sshll.u32 s5, $0x1;
	s5 =	sadd.s32 s21, s3  }
0xa3: {  	[timem:s7], [sflag:s22] =	dma.local [hbm:s5], s20  }
0xa4: {  	_ =	swait.ge [sflag:s22], s20  }
0xa5: {  	s4 =	ssub.s32 $0x0, s20;
	[sflag:s22] =	ssyncset.done $0x0  }
0xa6: {  	[sflag:s22] =	ssyncadd.s32 s4;
	_ =	sdelay $0x1  }
0xa7: {  	s23 =	simm.s32 $0x1B8B  }
0xa8: {  	_ =	swait.ge [sflag:s23], $0x1  }
0xa9: {  	[sflag:s23] =	ssyncset.done $0x0  }
0xaa: {  	s25 =	simm.s32 $0x1B8E;
	s24 =	sld [smem:$0x3FFE];
	[sflag:s23] =	ssyncadd.s32 $0xFFFFFFFF  }
0xab: {  	s26 =	simm.s32 $execute0_lowered;
	[smem:$0x3FD2] =	sst s25  }
0xac: {  	s5 =	sshll.u32 s26, $0x1;
	_ =	strace $0x80000046;
	[dreg:$0x1] =	wrdreg $0xFFFFFFFF  }
0xad: {  	s28 =	simm.s32 $_size_execute0_lowered;
	s3 =	sadd.s32 s3, s5;
	[dreg:$0x0] =	wrdreg $0x0  }
0xae: {  	s5 =	sshll.u32 s28, $0x1;
	[dreg:$0x2] =	wrdreg s3  }
0xaf: {  	[dreg:$0x3] =	wrdreg s5  }
0xb0: {  	[dreg:$0x4] =	wrdreg $0xC0  }
0xb1: {  	_ =	task [dreg:s7], $0x5FFFF  }
0xb2: {  	[dreg:$0x1] =	wrdreg $0xFFFFFFFF  }
0xb3: {  	[dreg:$0x0] =	wrdreg $0x60  }
0xb4: {  	[dreg:$0x2] =	wrdreg s16  }
0xb5: {  	[dreg:$0x3] =	wrdreg s24  }
0xb6: {  	[dreg:$0x4] =	wrdreg $0x9  }
0xb7: {  	_ =	task.clear_ibuf [dreg:s7], $0x5FFFF;
	_ =	strace $0x90000046  }
0xb8: {  	s29 =	simm.s32 $0x9;
	_ =	strace $0x80000048  }
0xb9: {  	_ =	swait.ge [sflag:s29], $0x1  }
0xba: {  	[sflag:s29] =	ssyncadd.s32 $0xFFFFFFFF  }
0xbb: {  	_ =	strace $0x90000048  }
0xbc: {  	_ =	sfence  }
0xbd: {  	s30 =	sld [smem:$0x0];
	_ =	sdelay $0x2  }
0xbe: {  	s31 =	sshll.u32 s1, $0xD;
	s1 =	sshrl.u32 s1, $0x2  }
0xbf: {  	s3 =	sand.u32 $0x4000, s31;
	s1 =	sadd.s32 s1, s30  }
0xc0: {  	s0 =	sor.u32 s3, s0;
	s1 =	sshll.u32 s1, $0x11  }
0xc1: {  	s0 =	sor.u32 s1, s0  }
0xc2: {  	s0 =	sadd.s32 $0x8F2B, s0  }
0xc3: {  	[sflag:s0] =	ssyncadd.remote.s32 $0x1  }
0xc4: {  	_ =	sfence.sel $0xFFFF  }
0xc5: {  	[dreg:$0x0] =	wrdreg $0xFFFFFFFF;
	(pc) =	sbr.abs _section_cstart, $3  }
0xc6: {  	[dreg:$0x1] =	wrdreg $0xFFFFFFFF  }
0xc7: {  	_ =	task.clear_ibuf [dreg:s7], $0x2FFFF;
	_ =	strace $0x9FFFFFFF  }
0xc8: {  	(tm) =	ssettm $0x7FFFFFFF  }
0xc9: {  	_ =	shalt  }
tec
execute0_lowered:
.L_overlay_start_1:
0x0: {  	(tag) =	ssettag $0x1  }
0x1: {  	s3 =	rddreg [dreg:$0x0]  }
0x2: {  	s5 =	rddreg [dreg:$0x1]  }
0x3: {  	s0 =	rddreg [dreg:$0x2];
	s4 =	srdreg.scid  }
0x4: {  	s2 =	simm.s32 $0x0;
	s1 =	stileid.u32;
	s4 =	sand.u32 $0x1, s4  }
0x5: {  	s6 =	sshll.u32 s1, $0xA;
	s7 =	sshll.u32 s4, $0x9;
	s30 =	ssub.s32 $0x2, s4  }
0x6: {  	[smem:$0x7FF] =	sst s2;
	s6 =	sor.u32 s7, s6;
	s8 =	sshrl.u32 s30, $0x1  }
0x7: {  	_ =	strace $0x80000047;
	s4 =	sadd.s32 s3, s6;
	s31 =	ssub.s32 s30, s8  }
0x8: {  	[tilespmem:s2], [sflag:$0x1] =	stream.linear.gather [hbm4b:s4+s2], $0x1000, $0x38;
	[tilespmem:$0x1000] =	vst v63  }
0x9: {  	s3 =	simm.s32 $0x1;
	s5 =	sadd.s32 s6, s5;
	s6 =	smax.u32 s31, $0x1  }
0xa: {  	_ =	swait.ge [sflag:s3], $0x1000;
	p0 =	sne.s32 s6, $0x1  }
.Ltmp0:
0xb: {  	[sflag:s3] =	ssyncset.done $0x0;
	(pc) =	sbr.rel @!p0 .LBB2_2-.Ltmp0, $4  }
0xc: {  	s5 =	sadd.s32 $0x2000, s5;
	[sflag:s3] =	ssyncadd.s32 $0xFFFFF000  }
0xd: {  	[hbm4b:s5+s2] =	stream.linear.scatter [tilespmem:s2], [sflag:$0x1], $0x1000, $0x38;
	[tilespmem:$0x1000] =	vst v63  }
0xe: {  	_ =	swait.ge [sflag:s3], $0x1000  }
0xf: {  	s6 =	sadd.s32 $0xFFFFFFFF, s6;
	[sflag:s3] =	ssyncset.done $0x0  }
.LBB2_1:
0x10: {  	p0 =	sne.s32 s6, $0x1;
	s6 =	sadd.s32 $0xFFFFFFFF, s6;
	[sflag:s3] =	ssyncadd.s32 $0xFFFFF000  }
0x11: {  	[tilespmem:s2], [sflag:$0x1] =	stream.linear.gather [hbm4b:s4+s2], $0x1000, $0x38;
	[tilespmem:$0x1000] =	vst v63  }
0x12: {  	_ =	swait.ge [sflag:s3], $0x1000  }
.Ltmp1:
0x13: {  	[sflag:s3] =	ssyncset.done $0x0;
	(pc) =	sbr.rel @p0 .LBB2_1-.Ltmp1, $4  }
0x14: {  	[sflag:s3] =	ssyncadd.s32 $0xFFFFF000  }
0x15: {  	[hbm4b:s5+s2] =	stream.linear.scatter [tilespmem:s2], [sflag:$0x1], $0x1000, $0x38;
	[tilespmem:$0x1000] =	vst v63  }
0x16: {  	_ =	swait.ge [sflag:s3], $0x1000  }
0x17: {  	[sflag:s3] =	ssyncset.done $0x0  }
.LBB2_2:
0x18: {  	[sflag:s3] =	ssyncadd.s32 $0xFFFFF000  }
0x19: {  	_ =	sfence.sel $0x180000  }
0x1a: {  	[bflag:$0x0] =	sbarrier.arrive $0xFFFF  }
0x1b: {  	p0 =	sne.s32 s1, $0x0;
	_ =	strace $0x90000047  }
0x1c: {  	s0 =	sadd.s32 @!p0 $0x100000, s0;
	[bflag:$0x2] =	sbarrier.arrive $0xFFFF  }
0x1d: {  	[sflag:s0] =	ssyncadd.tile.s32 @!p0 $0x1;
	_ =	shalt  }
.Lfunc_end2:
_tile_overlayer_lowered:
.L_overlay_start_2:
0x1e: {  	(tag) =	ssettag $0x2  }
0x1f: {  	s0 =	rddreg [dreg:$0x0];
	s2 =	stileid.u32  }
0x20: {  	s1 =	rddreg [dreg:$0x1];
	p0 =	sne.s32 s2, $0x0  }
0x21: {  	s3 =	rddreg [dreg:$0x2];
	[bflag:$0x3] =	sbarrier.arrive $0xFFFF;
	s2 =	simm.s32 @!p0 $0x1C01  }
0x22: {  	[timem:s3], [sflag:s2] =	dma.local @!p0 [hbm:s0], s1  }
0x23: {  	s0 =	simm.s32 @!p0 $0x1  }
0x24: {  	_ =	swait.ge @!p0 [sflag:s0], s1  }
0x25: {  	s1 =	ssub.s32 @!p0 $0x0, s1;
	[sflag:s0] =	ssyncset.done @!p0 $0x0  }
0x26: {  	[sflag:s0] =	ssyncadd.s32 @!p0 s1  }
0x27: {  	[bflag:$0x3] =	sbarrier.arrive $0xFFFF  }
0x28: {  	_ =	shalt  }

</sc_bundles>
